<compile_context>
chip_gen: v7x
topology: tpu7x:2x2x1
jax: 0.10.2.dev20260603
libtpu: 0.0.44.dev20260713+nightly
codegen_flags: <defaults>
</compile_context>

<pallas_src>
import jax
import jax.numpy as jnp
from jax.experimental import pallas as pl
from jax.experimental.pallas import tpu as pltpu

_CP = pltpu.CompilerParams(dimension_semantics=("arbitrary",),
                           vmem_limit_bytes=60 * 1024 * 1024)


def _stream(h_ref, o_ref):
    o_ref[...] = jnp.sum(h_ref[...].astype(jnp.float32), axis=0,
                         keepdims=True)[None]


def kernel(x, H, w, W1, b1, W2, b2, Wh, bh):
    n, m = H.shape
    mp = 5120
    hb = jnp.pad(H.astype(jnp.bfloat16), ((0, 0), (0, mp - m)))
    nb = 400
    parts = pl.pallas_call(
        _stream,
        grid=(n // nb,),
        in_specs=[pl.BlockSpec((nb, mp), lambda i: (i, 0))],
        out_specs=pl.BlockSpec((1, 1, mp), lambda i: (i, 0, 0)),
        out_shape=jax.ShapeDtypeStruct((n // nb, 1, mp), jnp.float32),
        compiler_params=_CP,
    )(hb)
    return parts

# --- scband reference (transcript-rebuilt; emitter-appended) ---
"""Pipeline reference for scband-hgnn-40587440947828 (READ-ONLY COPY).

The authoritative reference and input builder live on the scoring server;
editing this copy changes nothing except your own understanding.
"""

import jax, jax.numpy as jnp
import numpy as np

N, M = 10000, 5000
IN, HID, OUT = 128, 64, 64


def _hconv(x, H, w, W, b):
    # Linear transform
    xw = x @ W + b
    # Degrees: edge degree De[m] = sum_n H[n,m]; vertex degree Dv[n] = sum_m H[n,m]*w[m]
    De = jnp.sum(H, axis=0)
    Dv = jnp.sum(H * w[None, :], axis=1)
    inv_sqrt_Dv = jax.lax.rsqrt(Dv + 1e-12)
    inv_De = 1.0 / (De + 1e-12)
    # Dv^{-1/2} H W_e De^{-1} H^T Dv^{-1/2} X Theta
    x1 = xw * inv_sqrt_Dv[:, None]
    e = (H.T @ x1) * (w * inv_De)[:, None]
    out = (H @ e) * inv_sqrt_Dv[:, None]
    return out


def setup_inputs(seed: int = 0):
    key = jax.random.key(seed)
    ks = jax.random.split(key, 9)
    x = jax.random.normal(ks[0], (N, IN), dtype=jnp.float32)
    H = jax.random.uniform(ks[1], (N, M), dtype=jnp.float32)
    w = jax.random.uniform(ks[2], (M,), dtype=jnp.float32)
    W1 = jax.random.normal(ks[3], (IN, HID), dtype=jnp.float32) * (1.0 / np.sqrt(IN))
    b1 = jnp.zeros((HID,), dtype=jnp.float32)
    W2 = jax.random.normal(ks[4], (HID, HID), dtype=jnp.float32) * (1.0 / np.sqrt(HID))
    b2 = jnp.zeros((HID,), dtype=jnp.float32)
    Wh = jax.random.normal(ks[5], (HID, OUT), dtype=jnp.float32) * (1.0 / np.sqrt(HID))
    bh = jnp.zeros((OUT,), dtype=jnp.float32)
    return {"x": x, "H": H, "w": w, "W1": W1, "b1": b1, "W2": W2, "b2": b2, "Wh": Wh, "bh": bh}


def reference(x, H, w, W1, b1, W2, b2, Wh, bh):
    h = jax.nn.relu(_hconv(x, H, w, W1, b1))
    # dropout is identity in eval mode
    h = jax.nn.relu(_hconv(h, H, w, W2, b2))
    return h @ Wh + bh

if __name__ == "__main__":
    import jax
    _d = setup_inputs()
    print(jax.jit(kernel)(*tuple(_d.values())))

</pallas_src>

<mosaic_0001>
module attributes {stable_mosaic.version = 14 : i64} {
  func.func @_stream(%arg0: i32, %arg1: memref<400x5120xbf16, #tpu.memory_space<vmem>>, %arg2: memref<1x1x5120xf32, #tpu.memory_space<vmem>>) attributes {dimension_semantics = [#tpu.dimension_semantics<arbitrary>], iteration_bounds = array<i64: 25>, scalar_prefetch = 0 : i64, scratch_operands = 0 : i64, tpu.core_type = #tpu.core_type<tc>, window_params = [{transform_indices = @transform_0, window_bounds = array<i64: 400, 5120>}, {transform_indices = @transform_1, window_bounds = array<i64: 1, 1, 5120>}]} {
    %get3A = arith.constant 0 : index
    %get3A_0 = arith.constant 0 : index
    %get3A_1 = vector.load %arg1[%get3A, %get3A_0] : memref<400x5120xbf16, #tpu.memory_space<vmem>>, vector<400x5120xbf16>
    %convert_element_type3A = arith.extf %get3A_1 : vector<400x5120xbf16> to vector<400x5120xf32>
    %reduce_sum3A = arith.constant dense<0.000000e+00> : vector<5120xf32>
    %reduce_sum3A_2 = vector.multi_reduction <add>, %convert_element_type3A, %reduce_sum3A [0] : vector<400x5120xf32> to vector<5120xf32>
    %broadcast_in_dim3A = vector.shape_cast %reduce_sum3A_2 : vector<5120xf32> to vector<1x5120xf32>
    %broadcast_in_dim3A_3 = vector.shape_cast %broadcast_in_dim3A : vector<1x5120xf32> to vector<1x1x5120xf32>
    %swap3A = arith.constant 0 : index
    %swap3A_4 = arith.constant 0 : index
    %swap3A_5 = arith.constant 0 : index
    %swap3A_6 = vector.load %arg2[%swap3A, %swap3A_4, %swap3A_5] : memref<1x1x5120xf32, #tpu.memory_space<vmem>>, vector<1x1x5120xf32>
    tpu.vector_store %arg2[%swap3A, %swap3A_4, %swap3A_5], %broadcast_in_dim3A_3 {strides = array<i32>} : memref<1x1x5120xf32, #tpu.memory_space<vmem>>, vector<1x1x5120xf32>,
    return
  }
  func.func @transform_0(%arg0: i32) -> (i32, i32) {
    %c0_i32 = arith.constant 0 : i32
    %c0_i32_0 = arith.constant 0 : i32
    return %arg0, %c0_i32 : i32, i32
  }
  func.func @transform_1(%arg0: i32) -> (i32, i32, i32) {
    %c0_i32 = arith.constant 0 : i32
    %c0_i32_0 = arith.constant 0 : i32
    %c0_i32_1 = arith.constant 0 : i32
    return %arg0, %c0_i32, %c0_i32_0 : i32, i32, i32
  }
}

</mosaic_0001>

<sc_bundles>
// kernel: sparse-core-data-format-call.cloned.1.call-start
scs
called_computation_lowered:
.L_overlay_start_0:
0x0: {  	s1 =	sld [smem:$0x3FD9]  }
0x1: {  	s2 =	sld [smem:$0x3FFE];
	_ =	sdelay $0x1  }
0x2: {  	s3 =	srdreg.scid  }
0x3: {  	s0 =	sand.u32 $0x1, s3  }
0x4: {  	s17 =	sshll.u32 s0, $0xA;
	s1 =	sadd.s32 s2, s1  }
0x5: {  	s1 =	sadd.s32 s1, s17  }
0x6: {  	[smem:$0x3FC7] =	sst s1  }
0x7: {  	_ = 	snop  }
0x8: {  	(tm) =	ssettm $0x1  }
0x9: {  	s18 =	sld [smem:$0x3FFB];
	_ =	sdelay $0x3  }
0xa: {  	_ =	strace s18  }
0xb: {  	s1 =	sld [smem:$0x3FFC];
	_ =	sdelay $0x3  }
0xc: {  	_ =	strace s1  }
0xd: {  	s1 =	sld [smem:$0x3FFD];
	_ =	sdelay $0x3  }
0xe: {  	_ =	strace s1  }
0xf: {  	_ =	strace $0x8FFFFFFF  }
0x10: {  	s19 =	sld [smem:$0x3FDB];
	_ =	sdelay $0x1  }
0x11: {  	s20 =	simm.s32 $_scs_section_size  }
0x12: {  	s4 =	simm.s32 $_size__tile_overlayer_lowered;
	s5 =	simm.s32 $_tile_overlayer_lowered  }
0x13: {  	s23 =	simm.s32 $0x1BFF;
	s22 =	sshll.u32 s5, $0x1;
	s1 =	sadd.s32 s20, s19  }
0x14: {  	s6 =	simm.s32 $0x0;
	s21 =	sshll.u32 s4, $0x1;
	s4 =	sadd.s32 s22, s1  }
0x15: {  	[timem:s6], [sflag:s23] =	dma.local [hbm:s4], s21  }
0x16: {  	_ =	swait.ge [sflag:s23], s21  }
0x17: {  	s2 =	ssub.s32 $0x0, s21;
	[sflag:s23] =	ssyncset.done $0x0  }
0x18: {  	[sflag:s23] =	ssyncadd.s32 s2;
	_ =	sdelay $0x1  }
0x19: {  	s24 =	simm.s32 $0x1B8B  }
0x1a: {  	_ =	swait.ge [sflag:s24], $0x1  }
0x1b: {  	[sflag:s24] =	ssyncset.done $0x0  }
0x1c: {  	s26 =	simm.s32 $0x1B8E;
	s25 =	sld [smem:$0x3FFE];
	[sflag:s24] =	ssyncadd.s32 $0xFFFFFFFF  }
0x1d: {  	s27 =	simm.s32 $execute0_lowered;
	[smem:$0x3FD2] =	sst s26  }
0x1e: {  	s4 =	sshll.u32 s27, $0x1;
	_ =	strace $0x80000046;
	[dreg:$0x1] =	wrdreg $0xFFFFFFFF  }
0x1f: {  	s28 =	simm.s32 $_size_execute0_lowered;
	s1 =	sadd.s32 s1, s4;
	[dreg:$0x0] =	wrdreg $0x0  }
0x20: {  	s4 =	sshll.u32 s28, $0x1;
	[dreg:$0x2] =	wrdreg s1  }
0x21: {  	[dreg:$0x3] =	wrdreg s4  }
0x22: {  	[dreg:$0x4] =	wrdreg $0xC0  }
0x23: {  	_ =	task [dreg:s6], $0x5FFFF  }
0x24: {  	[dreg:$0x1] =	wrdreg $0xFFFFFFFF  }
0x25: {  	[dreg:$0x0] =	wrdreg $0x60  }
0x26: {  	[dreg:$0x2] =	wrdreg s25  }
0x27: {  	[dreg:$0x3] =	wrdreg $0x9  }
0x28: {  	_ =	task.clear_ibuf [dreg:s6], $0x4FFFF;
	_ =	strace $0x90000046  }
0x29: {  	s29 =	simm.s32 $0x9;
	_ =	strace $0x80000048  }
0x2a: {  	_ =	swait.ge [sflag:s29], $0x1  }
0x2b: {  	[sflag:s29] =	ssyncadd.s32 $0xFFFFFFFF  }
0x2c: {  	_ =	strace $0x90000048  }
0x2d: {  	_ =	sfence  }
0x2e: {  	s30 =	sld [smem:$0x0];
	_ =	sdelay $0x2  }
0x2f: {  	s31 =	sshll.u32 s3, $0xD;
	s3 =	sshrl.u32 s3, $0x2  }
0x30: {  	s2 =	sand.u32 $0x4000, s31;
	s1 =	sadd.s32 s3, s30  }
0x31: {  	s0 =	sor.u32 s2, s0;
	s1 =	sshll.u32 s1, $0x11  }
0x32: {  	s0 =	sor.u32 s1, s0  }
0x33: {  	s0 =	sadd.s32 $0x8F2B, s0  }
0x34: {  	[sflag:s0] =	ssyncadd.remote.s32 $0x1  }
0x35: {  	_ =	sfence.sel $0xFFFF  }
0x36: {  	[dreg:$0x0] =	wrdreg $0xFFFFFFFF;
	(pc) =	sbr.abs _section_cstart, $3  }
0x37: {  	[dreg:$0x1] =	wrdreg $0xFFFFFFFF  }
0x38: {  	_ =	task.clear_ibuf [dreg:s6], $0x2FFFF;
	_ =	strace $0x9FFFFFFF  }
0x39: {  	(tm) =	ssettm $0x7FFFFFFF  }
tec
execute0_lowered:
.L_overlay_start_1:
0x0: {  	(tag) =	ssettag $0x1  }
0x1: {  	s0 =	srdreg.scid;
	s1 =	stileid.u32  }
0x2: {  	s30 =	rddreg [dreg:$0x0];
	_ =	strace $0x80000047;
	s0 =	sshll.u32 s0, $0x4  }
0x3: {  	s3 =	simm.s32 $0x1;
	s31 =	simm.s32 $0x2;
	s0 =	sand.u32 $0x10, s0  }
0x4: {  	s15 =	simm.s32 $0x0;
	s14 =	simm.s32 $0x0;
	s0 =	sor.u32 s1, s0  }
0x5: {  	s9 =	simm.s32 $0x0;
	s11 =	simm.s32 $0x0;
	s2 =	sshll.u32 s0, $0x7  }
.Ltmp0:
0x6: {  	s12 =	simm.s32 $0x0;
	s0 =	ssub.s32 $0x2700, s2;
	(pc) =	sbr.rel .LBB1_1-.Ltmp0, $4  }
0x7: {  	[sflag:s3] =	ssyncpa.u1 $0x0;
	s4 =	sadd.s32 $0x400, s30;
	s0 =	sshrl.u32 s0, $0xC  }
0x8: {  	[dreg:$0x2] =	wrdreg s4;
	s1 =	sadd.s32 $0x303C00, s30;
	s0 =	smul.u32 $0x28, s0  }
0x9: {  	s13 =	simm.s32 $0x0;
	[sflag:s31] =	ssyncpa.u1 $0x0;
	[dreg:$0x3] =	wrdreg s1  }
0xa: {  	s10 =	smov.u32 s2;
	s6 =	sadd.s32 $0x28, s0;
	s7 =	sadd.s32 $0x29, s0  }
.LBB1_12:
0xb: {  	s0 =	sshrl.u32 s9, $0x3;
	s1 =	sand.u32 $0x1, s9;
	s3 =	sshll.u32 s11, $0x1  }
0xc: {  	s4 =	sshll.u32 s11, $0x3;
	s5 =	sshll.u32 s9, $0x7;
	p0 =	sgt.s32 s9, $0x2690  }
0xd: {  	s29 =	rddreg [dreg:$0x3];
	s30 =	sor.u32 $0x4000, s17;
	s0 =	smul.u32 $0xA000, s0  }
0xe: {  	s3 =	sand.u32 $0xFE, s3;
	s4 =	sand.u32 $0xFFFFFC00, s4;
	s5 =	sand.u32 $0x300, s5  }
0xf: {  	s1 =	sor.u32 s1, s3;
	s3 =	smov.u32 s9;
	s0 =	sadd.s32 s4, s0  }
0x10: {  	s1 =	sor.u32 s5, s1;
	s3 =	simm.s32 @!p0 $0x2690;
	p0 =	sgt.s32 s11, $0x1380  }
0x11: {  	s5 =	smov.u32 s11;
	s1 =	sor.u32 s0, s1;
	s0 =	smulhi.u32 $0xCCCCCCCD, s0  }
0x12: {  	s3 =	sadd.s32 s18, s3;
	s5 =	simm.s32 @!p0 $0x1380;
	s26 =	smulhi.u32 $0xCCCCCCCD, s1  }
0x13: {  	s5 =	sadd.s32 s16, s5;
	s8 =	sadd.s32 $0xFFFFD970, s3;
	s0 =	sshrl.u32 s0, $0xC  }
0x14: {  	s3 =	ssub.s32 $0x2710, s3;
	s4 =	sshrl.u32 s26, $0xC;
	s28 =	smulhi.u32 $0x68DB9, s0  }
0x15: {  	p0 =	sgt.s32 s8, $0x7F;
	s27 =	sadd.s32 $0xFFFFEC80, s5;
	s4 =	smul.u32 $0x1400, s4  }
0x16: {  	s5 =	ssub.s32 $0x1400, s5;
	p1 =	sgt.s32 s27, $0x7F;
	s8 =	smul.u32 $0x2710, s28  }
0x17: {  	s31 =	simm.s32 $0x5000;
	s3 =	simm.s32 @p0 $0x0;
	s5 =	simm.s32 @p1 $0x0  }
0x18: {  	s3 =	smul.u32 s5, s3;
	s1 =	ssub.s32 s1, s4;
	s0 =	ssub.s32 s0, s8  }
0x19: {  	s4 =	sshrl.u32 s1, $0x4;
	s1 =	sshll.u32 s1, $0x11;
	s0 =	smul.u32 $0x140, s0  }
0x1a: {  	s3 =	sshrl.u32 s3, $0x1;
	s4 =	sadd.s32 s29, s4;
	s1 =	sand.u32 $0x1C0000, s1  }
0x1b: {  	s3 =	sand.u32 $0x3FFFFFFF, s3;
	s1 =	sor.u32 $0x200, s1;
	s0 =	sadd.s32 s0, s4  }
0x1c: {  	[hbm4b:s0+s1] =	stream.strided.scatter [tilespmem:s30], [sflag:$0x2], s3, s31, s1, $0x20;
	[tilespmem:$0x8080] =	vst v63  }
.LBB1_13:
0x1d: {  	p0 =	slt.u32 s13, $0x2  }
0x1e: {  	s1 =	smov.u32 s15;
	s3 =	smov.u32 s14;
	p1 =	sgt.s32 @!p0 s15, $0x2690  }
0x1f: {  	s0 =	sshra.s32 @!p0 s15, $0x1F;
	p2 =	sgt.s32 @!p0 s14, $0x1380;
	s4 =	sshra.s32 @!p0 s14, $0x1F  }
0x20: {  	p1 =	por !p1, p0;
	s0 =	sand.u32 @!p0 s0, s15;
	p2 =	por !p2, p0  }
0x21: {  	s4 =	sand.u32 @!p0 s4, s14;
	s1 =	simm.s32 @p1 $0x2690;
	s3 =	simm.s32 @p2 $0x1380  }
0x22: {  	s0 =	ssub.s32 @!p0 s1, s0;
	s1 =	ssub.s32 @!p0 s3, s4  }
0x23: {  	s3 =	sadd.s32 @!p0 $0xFFFFD970, s0;
	s4 =	sadd.s32 @!p0 $0xFFFFEC80, s1  }
0x24: {  	s0 =	ssub.s32 @!p0 $0x2710, s0;
	p1 =	sgt.s32 @!p0 s3, $0x7F;
	p2 =	sgt.s32 @!p0 s4, $0x7F  }
0x25: {  	s1 =	ssub.s32 @!p0 $0x1400, s1;
	p1 =	por !p1, p0;
	p2 =	por !p2, p0  }
0x26: {  	s0 =	simm.s32 @!p1 $0x0;
	s1 =	simm.s32 @!p2 $0x0  }
0x27: {  	s0 =	smul.u32 @!p0 s1, s0;
	s1 =	sadd.s32 $0x1000, s10  }
0x28: {  	s5 =	smov.u32 s12;
	s4 =	sadd.s32 $0x80, s12;
	p1 =	sgt.s32 s1, $0x270F  }
0x29: {  	s5 =	smov.u32 @p1 s4  }
0x2a: {  	s1 =	smov.u32 @p1 s2;
	p1 =	sgt.s32 s5, $0x1387  }
0x2b: {  	s5 =	simm.s32 @p1 $0x0;
	p1 =	sne.s32 s13, s7  }
.Ltmp1:
0x2c: {  	s15 =	smov.u32 s9;
	s0 =	sshrl.u32 @!p0 s0, $0x1;
	(pc) =	sbr.rel @!p1 .LBB1_14-.Ltmp1, $4  }
0x2d: {  	s14 =	smov.u32 s11;
	s3 =	simm.s32 @!p0 $0x2;
	s0 =	sand.u32 @!p0 $0x3FFFFFFF, s0  }
0x2e: {  	s9 =	smov.u32 s10;
	s11 =	smov.u32 s12;
	_ =	swait.ge @!p0 [sflag:s3], s0  }
0x2f: {  	s10 =	smov.u32 s1;
	s0 =	ssub.s32 @!p0 $0x0, s0;
	[sflag:s3] =	ssyncset.done @!p0 $0x0  }
0x30: {  	s13 =	sadd.s32 $0x1, s13;
	s12 =	smov.u32 s5;
	[sflag:s3] =	ssyncadd.s32 @!p0 s0  }
.LBB1_1:
0x31: {  	p0 =	sge.u32 s13, s6  }
0x32: {  	s8 =	smov.u32 s10;
	s0 =	sshrl.u32 @!p0 s12, $0x3  }
0x33: {  	s1 =	sshll.u32 @!p0 s10, $0x3;
	s3 =	sshll.u32 @!p0 s12, $0x7;
	s0 =	smul.u32 @!p0 $0x13C00, s0  }
0x34: {  	p1 =	sgt.s32 @!p0 s12, $0x1308;
	s4 =	sshra.s32 @!p0 s12, $0x1F;
	s1 =	sand.u32 @!p0 $0xFFFFFC00, s1  }
0x35: {  	s0 =	sadd.s32 @!p0 s0, s1;
	s1 =	sand.u32 @!p0 $0x300, s3;
	s3 =	sshll.u32 @!p0 s10, $0x1  }
0x36: {  	s16 =	sshra.s32 @!p0 s10, $0x1F;
	s0 =	sor.u32 @!p0 s1, s0;
	s1 =	sand.u32 @!p0 $0xFE, s3  }
0x37: {  	p1 =	por !p1, p0;
	s3 =	sand.u32 @!p0 $0x1, s12;
	s0 =	sor.u32 @!p0 s1, s0  }
0x38: {  	s4 =	sand.u32 @!p0 s4, s12;
	s1 =	sor.u32 @!p0 s3, s0;
	s3 =	smov.u32 s12  }
0x39: {  	s5 =	smulhi.u32 @!p0 $0xCF6474A9, s1;
	s3 =	simm.s32 @p1 $0x1308;
	p1 =	sgt.s32 @!p0 s10, $0x2700  }
0x3a: {  	s0 =	smulhi.u32 @!p0 $0xCF6474A9, s0;
	s3 =	ssub.s32 @!p0 s3, s4;
	p1 =	por !p1, p0  }
0x3b: {  	s4 =	sadd.s32 @!p0 $0xFFFFECF8, s3;
	s8 =	simm.s32 @p1 $0x2700;
	s5 =	sshrl.u32 @!p0 s5, $0xD  }
0x3c: {  	s3 =	ssub.s32 @!p0 $0x1388, s3;
	p2 =	sgt.s32 @!p0 s4, $0x7F;
	s4 =	sand.u32 @!p0 s16, s10  }
0x3d: {  	s5 =	smul.u32 @!p0 $0x2780, s5;
	s4 =	ssub.s32 @!p0 s8, s4;
	p1 =	por !p2, p0  }
0x3e: {  	s0 =	sshrl.u32 @!p0 s0, $0xD;
	s8 =	sadd.s32 @!p0 $0xFFFFD900, s4;
	s3 =	simm.s32 @!p1 $0x0  }
0x3f: {  	s1 =	ssub.s32 @!p0 s1, s5;
	p1 =	sgt.s32 @!p0 s8, $0x7F;
	s8 =	smulhi.u32 @!p0 $0xD1B72, s0  }
0x40: {  	s4 =	ssub.s32 @!p0 $0x2780, s4;
	s5 =	sshrl.u32 @!p0 s1, $0x4;
	s1 =	sshll.u32 @!p0 s1, $0x11  }
0x41: {  	p1 =	por !p1, p0;
	s1 =	sand.u32 @!p0 $0x1C0000, s1;
	s8 =	smul.u32 @!p0 $0x1388, s8  }
0x42: {  	s4 =	simm.s32 @!p1 $0x0;
	s1 =	sor.u32 @!p0 $0x200, s1  }
0x43: {  	s3 =	smul.u32 @!p0 s3, s4;
	s4 =	sxor.u32 @!p0 $0xFFFFFFFF, s13;
	s0 =	ssub.s32 @!p0 s0, s8  }
0x44: {  	s8 =	rddreg [dreg:$0x2];
	s4 =	sshll.u32 @!p0 s4, $0xD;
	s0 =	smul.u32 @!p0 $0x278, s0  }
0x45: {  	s3 =	sshrl.u32 @!p0 s3, $0x1;
	s5 =	sadd.s32 @!p0 s8, s5;
	s4 =	sand.u32 @!p0 $0x2000, s4  }
0x46: {  	s3 =	sand.u32 @!p0 $0x3FFFFFFF, s3;
	s0 =	sadd.s32 @!p0 s0, s5;
	s5 =	simm.s32 @!p0 $0x9E00  }
0x47: {  	[tilespmem:s4], [sflag:$0x1] =	stream.strided.gather @!p0 [hbm4b:s0+s1], s3, s5, s1, $0x38;
	[tilespmem:$0x8080] =	vst v63  }
0x48: {  	p0 =	seq.s32 s13, $0x0  }
0x49: {  	p1 =	sge.u32 @!p0 s13, s7  }
0x4a: {  	p0 =	por p0, p1  }
.Ltmp2:
0x4b: {  	_ = 	snop;
	(pc) =	sbr.rel @p0 .LBB1_13-.Ltmp2, $1  }
0x4c: {  	_ =	sdelay $0x3  }
0x4d: {  	s0 =	ssub.s32 $0x0, s11;
	s1 =	sshra.s32 s11, $0x1F  }
0x4e: {  	p0 =	sgt.s32 s11, $0x1308;
	s3 =	smov.u32 s11;
	s26 =	ssub.s32 $0x0, s9  }
0x4f: {  	s27 =	sshra.s32 s9, $0x1F;
	s16 =	sand.u32 s0, s1;
	s3 =	simm.s32 @!p0 $0x1308  }
0x50: {  	s4 =	smov.u32 s9;
	p0 =	sgt.s32 s9, $0x2700;
	s3 =	sadd.s32 s16, s3  }
0x51: {  	s18 =	sand.u32 s26, s27;
	s4 =	simm.s32 @!p0 $0x2700;
	s28 =	sadd.s32 $0xFFFFECF8, s3  }
0x52: {  	s1 =	sadd.s32 s18, s4;
	s3 =	ssub.s32 $0x1388, s3;
	p0 =	sgt.s32 s28, $0x7F  }
0x53: {  	s29 =	sadd.s32 $0xFFFFD900, s1;
	s0 =	ssub.s32 $0x2780, s1;
	s1 =	sadd.s32 $0x80, s11  }
0x54: {  	p1 =	sgt.s32 s29, $0x7F;
	s3 =	simm.s32 @p0 $0x0;
	p0 =	slt.s32 s1, $0x1388  }
0x55: {  	s0 =	simm.s32 @p1 $0x0;
	s1 =	simm.s32 @!p0 $0x1388  }
0x56: {  	s0 =	smul.u32 s3, s0;
	s19 =	ssub.s32 s1, s11  }
0x57: {  	p0 =	slt.s32 s19, $0x1  }
.Ltmp3:
0x58: {  	s3 =	sshrl.u32 s0, $0x1;
	(pc) =	sbr.rel @p0 .LBB1_12-.Ltmp3, $4  }
0x59: {  	s5 =	simm.s32 $0x1;
	s0 =	sand.u32 $0x1, s13;
	s3 =	sand.u32 $0x3FFFFFFF, s3  }
0x5a: {  	s30 =	smul.u32 $0x4080, s0;
	_ =	swait.ge [sflag:s5], s3  }
0x5b: {  	s31 =	ssub.s32 $0x0, s3;
	[sflag:s5] =	ssyncset.done $0x0  }
0x5c: {  	s17 =	sshrl.u32 s30, $0x1;
	[sflag:s5] =	ssyncadd.s32 s31  }
0x5d: {  	s1 =	sadd.s32 $0x80, s9  }
0x5e: {  	p0 =	slt.s32 s1, $0x2710  }
.Ltmp4:
0x5f: {  	s1 =	simm.s32 @!p0 $0x2710;
	(pc) =	sbr.rel .LBB1_4-.Ltmp4, $4  }
0x60: {  	s1 =	ssub.s32 s1, s9  }
0x61: {  	s22 =	sshll.u32 s0, $0xD;
	s3 =	sadd.s32 $0xF, s1;
	s1 =	sadd.s32 $0x1F, s1  }
0x62: {  	s23 =	sor.u32 $0x4000, s17;
	s20 =	sand.u32 $0xFFFFFFF0, s3;
	s21 =	sand.u32 $0xFFFFFF00, s1  }
0x63: {  	s24 =	simm.s32 $0x0;
	p0 =	slt.s32 s1, $0x100;
	p1 =	sge.s32 s21, s20  }
.LBB1_11:
0x64: {  	s24 =	sadd.s32 $0x2, s24  }
0x65: {  	p2 =	slt.s32 s24, s19  }
.Ltmp5:
0x66: {  	_ = 	snop;
	(pc) =	sbr.rel @!p2 .LBB1_12-.Ltmp5, $1  }
0x67: {  	_ =	sdelay $0x3  }
.LBB1_4:
.Ltmp6:
0x68: {  	(pc) =	sbr.rel @p0 .LBB1_8-.Ltmp6, $2  }
0x69: {  	_ =	sdelay $0x2  }
0x6a: {  	s26 =	sand.u32 $0x7E, s24;
	s25 =	sshll.u32 s24, $0x6  }
0x6b: {  	s3 =	sand.u32 $0x1F80, s25  }
0x6c: {  	s8 =	sadd.s32 s3, s22  }
0x6d: {  	v0 =	vld [tilespmem:s8+$0x60]  }
0x6e: {  	v1 =	vld [tilespmem:s8+$0x70]  }
0x6f: {  	s4 =	sshll.u32 s26, $0x6;
	v2 =	vld [tilespmem:s8+$0x40]  }
0x70: {  	s5 =	sadd.s32 s4, s22;
	v3 =	vld [tilespmem:s8+$0x50]  }
0x71: {  	v4 =	vld [tilespmem:s5+$0x30]  }
0x72: {  	v5 =	vld [tilespmem:s8+$0x20]  }
0x73: {  	v6 =	vld [tilespmem:s8+$0x30]  }
0x74: {  	s0 =	sand.u32 $0x3E, s24;
	v7 =	vld [tilespmem:s5+$0x10];
	v1 =	vperm.xlane.i2c.b16 v1;
	v8 =	vperm.xlane.i2c.b16 v0  }
0x75: {  	s1 =	sand.u32 $0x40, s24;
	s0 =	sadd.s32 s0, s23;
	v9 =	vld [tilespmem:s8+$0x0];
	v10 =	vperm.xlane.i2c.b16 v3;
	v2 =	vperm.xlane.i2c.b16 v2  }
0x76: {  	s27 =	sadd.s32 s1, s0;
	v11 =	vld [tilespmem:s8+$0x10];
	v0 =	vcombine.low v8, v1  }
0x77: {  	p2 =	sgt.s32 s21, $0x100;
	s1 =	sadd.s32 $0x1830, s27;
	v3 =	vperm.xlane.i2c.b16 v5;
	v12 =	vcombine.low v2, v10  }
.Ltmp7:
0x78: {  	s3 =	sadd.s32 $0x1020, s27;
	v13 =	vperm.xlane.i2c.b16 v6;
	v4 =	vperm.xlane.i2c.b16 v4;
	[tilespmem:s1+$0x0 ss:$0x81] =	vst.msk $0xffff, v0;
	(pc) =	sbr.rel @!p2 .LBB1_7-.Ltmp7, $4  }
0x79: {  	v6 =	vperm.xlane.i2c.b16 v7;
	v1 =	vcombine.high v8, v1;
	[tilespmem:s3+$0x0 ss:$0x81] =	vst.msk $0xffff, v12  }
0x7a: {  	s0 =	sadd.s32 $0x1831, s27;
	v7 =	vperm.xlane.i2c.b16 v9;
	v2 =	vcombine.high v2, v10;
	[tilespmem:s3+$0x0 ss:$0x81] =	vst.msk $0xffff, v12  }
0x7b: {  	s4 =	simm.s32 $0x100;
	s31 =	sadd.s32 $0x1021, s27;
	v9 =	vperm.xlane.i2c.b16 v11;
	v8 =	vcombine.low v3, v13;
	[tilespmem:s0+$0x0 ss:$0x81] =	vst.msk $0xffff, v1  }
0x7c: {  	s28 =	sadd.s32 $0x1, s27;
	s29 =	sadd.s32 $0x810, s27;
	s30 =	sadd.s32 $0x811, s27;
	v5 =	vcombine.low v3, v4;
	v10 =	vcombine.high v3, v13;
	[tilespmem:s31+$0x0 ss:$0x81] =	vst.msk $0xffff, v2  }
.LBB1_6:
0x7d: {  	v11 =	vld [tilespmem:s8+$0x60];
	v12 =	vcombine.low v7, v6;
	v13 =	vcombine.low v7, v9;
	[tilespmem:s29+$0x0 ss:$0x81] =	vst.msk $0xffff, v8  }
0x7e: {  	v6 =	vcombine.high v7, v6;
	v7 =	vcombine.high v7, v9;
	v8 =	vld [tilespmem:s8+$0x70];
	[tilespmem:s30+$0x0 ss:$0x81] =	vst.msk $0xffff, v10  }
0x7f: {  	v3 =	vcombine.high v3, v4;
	v9 =	vld [tilespmem:s8+$0x40];
	[tilespmem:s27+$0x0 ss:$0x81] =	vst.msk $0xffff, v13  }
0x80: {  	v4 =	vld [tilespmem:s8+$0x50];
	[tilespmem:s28+$0x0 ss:$0x81] =	vst.msk $0xffff, v7  }
0x81: {  	v7 =	vld [tilespmem:s5+$0x30];
	[tilespmem:s27+$0x0 ss:$0x81] =	vst.msk $0xffff, v12  }
0x82: {  	v10 =	vld [tilespmem:s8+$0x20];
	[tilespmem:s28+$0x0 ss:$0x81] =	vst.msk $0xffff, v6  }
0x83: {  	v6 =	vld [tilespmem:s8+$0x30];
	[tilespmem:s29+$0x0 ss:$0x81] =	vst.msk $0xffff, v5  }
0x84: {  	v11 =	vperm.xlane.i2c.b16 v11;
	v8 =	vperm.xlane.i2c.b16 v8;
	v5 =	vld [tilespmem:s5+$0x10];
	[tilespmem:s30+$0x0 ss:$0x81] =	vst.msk $0xffff, v3  }
0x85: {  	v9 =	vperm.xlane.i2c.b16 v9;
	v12 =	vld [tilespmem:s8+$0x0];
	v13 =	vperm.xlane.i2c.b16 v4;
	[tilespmem:s31+$0x0 ss:$0x81] =	vst.msk $0xffff, v2  }
0x86: {  	s4 =	sadd.s32 $0x100, s4;
	v14 =	vld [tilespmem:s8+$0x10];
	[tilespmem:s1+$0x0 ss:$0x81] =	vst.msk $0xffff, v0;
	v0 =	vcombine.low v11, v8  }
0x87: {  	p2 =	slt.s32 s4, s21;
	v15 =	vcombine.low v9, v13;
	[tilespmem:s0+$0x0 ss:$0x81] =	vst.msk $0xffff, v1;
	v1 =	vcombine.high v11, v8  }
.Ltmp8:
0x88: {  	v3 =	vperm.xlane.i2c.b16 v10;
	v10 =	vperm.xlane.i2c.b16 v6;
	[tilespmem:s1+$0x0 ss:$0x81] =	vst.msk $0xffff, v0;
	(pc) =	sbr.rel @p2 .LBB1_6-.Ltmp8, $4  }
0x89: {  	v4 =	vperm.xlane.i2c.b16 v7;
	v2 =	vcombine.high v9, v13;
	[tilespmem:s3+$0x0 ss:$0x81] =	vst.msk $0xffff, v15  }
0x8a: {  	v6 =	vperm.xlane.i2c.b16 v5;
	v8 =	vcombine.low v3, v10;
	[tilespmem:s0+$0x0 ss:$0x81] =	vst.msk $0xffff, v1  }
0x8b: {  	v7 =	vperm.xlane.i2c.b16 v12;
	v9 =	vperm.xlane.i2c.b16 v14;
	[tilespmem:s3+$0x0 ss:$0x81] =	vst.msk $0xffff, v15  }
0x8c: {  	v5 =	vcombine.low v3, v4;
	v10 =	vcombine.high v3, v10;
	[tilespmem:s31+$0x0 ss:$0x81] =	vst.msk $0xffff, v2  }
.LBB1_7:
0x8d: {  	[tilespmem:s29+$0x0 ss:$0x81] =	vst.msk $0xffff, v8  }
0x8e: {  	[tilespmem:s31+$0x0 ss:$0x81] =	vst.msk $0xffff, v2  }
0x8f: {  	[tilespmem:s1+$0x0 ss:$0x81] =	vst.msk $0xffff, v0  }
0x90: {  	[tilespmem:s30+$0x0 ss:$0x81] =	vst.msk $0xffff, v10  }
0x91: {  	v11 =	vcombine.low v7, v9;
	[tilespmem:s29+$0x0 ss:$0x81] =	vst.msk $0xffff, v5  }
0x92: {  	v62 =	vcombine.low v7, v6;
	[tilespmem:s0+$0x0 ss:$0x81] =	vst.msk $0xffff, v1  }
0x93: {  	v3 =	vcombine.high v3, v4;
	[tilespmem:s27+$0x0 ss:$0x81] =	vst.msk $0xffff, v11  }
0x94: {  	v61 =	vcombine.high v7, v9;
	[tilespmem:s27+$0x0 ss:$0x81] =	vst.msk $0xffff, v62  }
0x95: {  	v63 =	vcombine.high v7, v6;
	[tilespmem:s30+$0x0 ss:$0x81] =	vst.msk $0xffff, v3  }
0x96: {  	[tilespmem:s28+$0x0 ss:$0x81] =	vst.msk $0xffff, v61  }
0x97: {  	[tilespmem:s28+$0x0 ss:$0x81] =	vst.msk $0xffff, v63  }
.LBB1_8:
.Ltmp9:
0x98: {  	(pc) =	sbr.rel @p1 .LBB1_11-.Ltmp9, $1  }
0x99: {  	_ =	sdelay $0x3  }
0x9a: {  	s0 =	sand.u32 $0x3E, s24;
	s3 =	sshll.u32 s26, $0x8  }
0x9b: {  	s4 =	sand.u32 $0x40, s24;
	s1 =	sadd.s32 s0, s23;
	s0 =	sand.u32 $0x1F80, s25  }
0x9c: {  	s3 =	sshrl.u32 s3, $0x2;
	s1 =	sadd.s32 s4, s1;
	s4 =	smov.u32 s21  }
.LBB1_10:
0x9d: {  	s5 =	sand.u32 $0x40, s4  }
0x9e: {  	s5 =	sadd.s32 s5, s22  }
0x9f: {  	s8 =	sand.u32 $0x20, s4;
	s25 =	sadd.s32 s0, s5  }
0xa0: {  	s5 =	sadd.s32 s3, s5;
	s25 =	sadd.s32 s8, s25  }
0xa1: {  	s5 =	sadd.s32 s8, s5;
	v0 =	vld [tilespmem:s25+$0x0]  }
0xa2: {  	v1 =	vld [tilespmem:s5+$0x10];
	_ =	sdelay $0x3  }
0xa3: {  	s31 =	sand.u32 $0x60, s4;
	s4 =	sadd.s32 $0x20, s4  }
0xa4: {  	p2 =	slt.s32 s4, s20;
	s5 =	smul.u32 $0x102, s31;
	v1 =	vperm.xlane.i2c.b16 v1;
	v0 =	vperm.xlane.i2c.b16 v0  }
.Ltmp10:
0xa5: {  	_ = 	snop;
	(pc) =	sbr.rel @p2 .LBB1_10-.Ltmp10, $4  }
0xa6: {  	s5 =	sshrl.u32 s5, $0x2;
	v2 =	vcombine.low v0, v1  }
0xa7: {  	s5 =	sadd.s32 s5, s1;
	v0 =	vcombine.high v0, v1  }
0xa8: {  	[tilespmem:s5+$0x0 ss:$0x81] =	vst.msk $0xffff, v2  }
0xa9: {  	[tilespmem:s5+$0x1 ss:$0x81] =	vst.msk $0xffff, v0  }
.Ltmp11:
0xaa: {  	_ = 	snop;
	(pc) =	sbr.rel .LBB1_11-.Ltmp11, $1  }
0xab: {  	_ =	sdelay $0x3  }
.LBB1_14:
0xac: {  	_ =	sfence.sel $0x180000  }
0xad: {  	s0 =	simm.s32 $0x1;
	[bflag:$0x0] =	sbarrier.arrive $0xFFFF  }
0xae: {  	s30 =	simm.s32 $0x2;
	[sflag:s0] =	ssyncpa.u1 $0x1  }
0xaf: {  	[sflag:s30] =	ssyncpa.u1 $0x1  }
0xb0: {  	_ =	strace $0x90000047  }
0xb1: {  	s31 =	stileid.u32;
	[bflag:$0x2] =	sbarrier.arrive $0xFFFF  }
0xb2: {  	p0 =	sne.s32 s31, $0x0;
	s0 =	rddreg [dreg:$0x1]  }
0xb3: {  	s0 =	sadd.s32 @!p0 $0x100000, s0  }
0xb4: {  	[sflag:s0] =	ssyncadd.tile.s32 @!p0 $0x1;
	_ =	shalt  }
.Lfunc_end1:
_tile_overlayer_lowered:
.L_overlay_start_2:
0xb5: {  	(tag) =	ssettag $0x2  }
0xb6: {  	s0 =	rddreg [dreg:$0x0];
	s2 =	stileid.u32  }
0xb7: {  	s1 =	rddreg [dreg:$0x1];
	p0 =	sne.s32 s2, $0x0  }
0xb8: {  	s3 =	rddreg [dreg:$0x2];
	[bflag:$0x3] =	sbarrier.arrive $0xFFFF;
	s2 =	simm.s32 @!p0 $0x1C01  }
0xb9: {  	[timem:s3], [sflag:s2] =	dma.local @!p0 [hbm:s0], s1  }
0xba: {  	s0 =	simm.s32 @!p0 $0x1  }
0xbb: {  	_ =	swait.ge @!p0 [sflag:s0], s1  }
0xbc: {  	s1 =	ssub.s32 @!p0 $0x0, s1;
	[sflag:s0] =	ssyncset.done @!p0 $0x0  }
0xbd: {  	[sflag:s0] =	ssyncadd.s32 @!p0 s1  }
0xbe: {  	[bflag:$0x3] =	sbarrier.arrive $0xFFFF  }
0xbf: {  	_ =	shalt  }

</sc_bundles>
